<compile_context>
chip_gen: v7x
topology: tpu7x:2x2x1
jax: 0.10.2.dev20260603
libtpu: 0.0.44.dev20260713+nightly
codegen_flags: <defaults>
</compile_context>

<pallas_src>
import numpy as np
import jax
import jax.numpy as jnp
from jax.experimental import pallas as pl

_N = 1024

def _build_h() -> np.ndarray:
    i = np.arange(_N)
    parity = np.array([bin(v).count("1") & 1 for v in range(_N)], dtype=np.int8)
    return (1.0 - 2.0 * parity[i[:, None] & i[None, :]]).astype(np.float32)

_H = _build_h()


def _wht_body(x_ref, h_ref, o_ref):
    a = x_ref[0].astype(jnp.bfloat16)
    h = h_ref[...]
    t = jnp.dot(h, a, preferred_element_type=jnp.float32)
    t16 = (t * (1.0 / _N)).astype(jnp.bfloat16)
    o_ref[0] = jnp.dot(t16, h, preferred_element_type=jnp.float32)


def kernel(x, signs, indxs):
    b, dim = x.shape
    xr = x.reshape(b, _N, _N)
    out = pl.pallas_call(
        _wht_body,
        grid=(b,),
        in_specs=[
            pl.BlockSpec((1, _N, _N), lambda i: (i, 0, 0)),
            pl.BlockSpec((_N, _N), lambda i: (0, 0)),
        ],
        out_specs=pl.BlockSpec((1, _N, _N), lambda i: (i, 0, 0)),
        out_shape=jax.ShapeDtypeStruct((b, _N, _N), jnp.float32),
    )(xr, jnp.asarray(_H, dtype=jnp.bfloat16))
    return out.reshape(b, dim)

# --- scband reference (transcript-rebuilt; emitter-appended) ---
"""Pipeline reference for scband-gate-hadamard-77713138253951 (READ-ONLY COPY).

The authoritative reference and input builder live on the scoring server;
editing this copy changes nothing except your own understanding.
"""

import jax, jax.numpy as jnp
import numpy as np
import math

N_QUBITS = 20

def _build_buffers(N):
    dim = 2 ** N
    bin_site_inds = [np.repeat(np.tile([0, 1], 2 ** site), 2 ** (N - 1 - site)) for site in range(N)]
    sign_inds = np.array([np.repeat(np.tile([1, -1], 2 ** site), 2 ** (N - 1 - site)) for site in range(N)], dtype=np.float32)
    indx = np.array([np.arange(dim, dtype=np.int64) + (1 - 2 * bin_site_inds[i]) * 2 ** (N - 1 - i) for i in range(N)], dtype=np.int64)
    return sign_inds, indx

def setup_inputs(seed: int = 0) -> dict:
    key = jax.random.key(seed)
    dim = 2 ** N_QUBITS
    x = jax.random.normal(key, (8, dim), dtype=jnp.float32)
    signs_np, indxs_np = _build_buffers(N_QUBITS)
    signs = jnp.asarray(signs_np, dtype=jnp.float32)
    indxs = jnp.asarray(indxs_np, dtype=jnp.int32)
    return {"x": x, "signs": signs, "indxs": indxs}

def reference(x, signs, indxs):
    N = signs.shape[0]
    inv_sqrt2 = 1.0 / math.sqrt(2.0)
    for i in range(N):
        x = inv_sqrt2 * (signs[i] * x + jnp.take(x, indxs[i], axis=1))
    return x

if __name__ == "__main__":
    import jax
    _d = setup_inputs()
    print(jax.jit(kernel)(*tuple(_d.values())))

</pallas_src>

<mosaic_0001>
module attributes {stable_mosaic.version = 14 : i64} {
  func.func @_wht_body(%arg0: i32, %arg1: memref<1x1024x1024xf32, #tpu.memory_space<vmem>>, %arg2: memref<1024x1024xbf16, #tpu.memory_space<vmem>>, %arg3: memref<1x1024x1024xf32, #tpu.memory_space<vmem>>) attributes {dimension_semantics = [#tpu.dimension_semantics<arbitrary>], iteration_bounds = array<i64: 8>, scalar_prefetch = 0 : i64, scratch_operands = 0 : i64, tpu.core_type = #tpu.core_type<tc>, window_params = [{transform_indices = @transform_0, window_bounds = array<i64: 1, 1024, 1024>}, {pipeline_mode = #tpu.pipeline_mode<synchronous>, transform_indices = @transform_1, window_bounds = array<i64: 1024, 1024>}, {transform_indices = @transform_2, window_bounds = array<i64: 1, 1024, 1024>}]} {
    %get3A = arith.constant 0 : index
    %get3A_0 = arith.constant 0 : index
    %get3A_1 = arith.constant 0 : index
    %get3A_2 = vector.load %arg1[%get3A, %get3A_0, %get3A_1] : memref<1x1024x1024xf32, #tpu.memory_space<vmem>>, vector<1x1024x1024xf32>
    %get3A_3 = vector.shape_cast %get3A_2 : vector<1x1024x1024xf32> to vector<1024x1024xf32>
    %convert_element_type3A = arith.truncf %get3A_3 : vector<1024x1024xf32> to vector<1024x1024xbf16>
    %get3A_4 = arith.constant 0 : index
    %get3A_5 = arith.constant 0 : index
    %get3A_6 = vector.load %arg2[%get3A_4, %get3A_5] : memref<1024x1024xbf16, #tpu.memory_space<vmem>>, vector<1024x1024xbf16>
    %dot_general3A = arith.constant dense<0.000000e+00> : vector<1024x1024xf32>
    %dot_general3A_7 = tpu.matmul %get3A_6, %convert_element_type3A, %dot_general3A {dimension_numbers = #tpu.dot_dimension_numbers<[1], [0], [0], [1], [0, 0, 1, 1], [], []>, transpose_lhs_hint = false} : vector<1024x1024xbf16>, vector<1024x1024xbf16>, vector<1024x1024xf32> -> vector<1024x1024xf32>
    %mul3A = arith.constant 9.765625E-4 : f32
    %mul3A_8 = vector.broadcast %mul3A : f32 to vector<1024x1024xf32>
    %mul3A_9 = arith.mulf %dot_general3A_7, %mul3A_8 : vector<1024x1024xf32>
    %convert_element_type3A_10 = arith.truncf %mul3A_9 : vector<1024x1024xf32> to vector<1024x1024xbf16>
    %dot_general3A_11 = arith.constant dense<0.000000e+00> : vector<1024x1024xf32>
    %dot_general3A_12 = tpu.matmul %convert_element_type3A_10, %get3A_6, %dot_general3A_11 {dimension_numbers = #tpu.dot_dimension_numbers<[1], [0], [0], [1], [0, 0, 1, 1], [], []>, transpose_lhs_hint = false} : vector<1024x1024xbf16>, vector<1024x1024xbf16>, vector<1024x1024xf32> -> vector<1024x1024xf32>
    %swap3A = arith.constant 0 : index
    %swap3A_13 = arith.constant 0 : index
    %swap3A_14 = arith.constant 0 : index
    %swap3A_15 = vector.load %arg3[%swap3A, %swap3A_13, %swap3A_14] : memref<1x1024x1024xf32, #tpu.memory_space<vmem>>, vector<1x1024x1024xf32>
    %swap3A_16 = vector.shape_cast %swap3A_15 : vector<1x1024x1024xf32> to vector<1024x1024xf32>
    %swap3A_17 = vector.shape_cast %dot_general3A_12 : vector<1024x1024xf32> to vector<1x1024x1024xf32>
    tpu.vector_store %arg3[%swap3A, %swap3A_13, %swap3A_14], %swap3A_17 {strides = array<i32>} : memref<1x1024x1024xf32, #tpu.memory_space<vmem>>, vector<1x1024x1024xf32>,
    return
  }
  func.func @transform_0(%arg0: i32) -> (i32, i32, i32) {
    %c0_i32 = arith.constant 0 : i32
    %c0_i32_0 = arith.constant 0 : i32
    %c0_i32_1 = arith.constant 0 : i32
    return %arg0, %c0_i32, %c0_i32_0 : i32, i32, i32
  }
  func.func @transform_1(%arg0: i32) -> (i32, i32) {
    %c0_i32 = arith.constant 0 : i32
    %c0_i32_0 = arith.constant 0 : i32
    %c0_i32_1 = arith.constant 0 : i32
    return %c0_i32, %c0_i32_0 : i32, i32
  }
  func.func @transform_2(%arg0: i32) -> (i32, i32, i32) {
    %c0_i32 = arith.constant 0 : i32
    %c0_i32_0 = arith.constant 0 : i32
    %c0_i32_1 = arith.constant 0 : i32
    return %arg0, %c0_i32, %c0_i32_0 : i32, i32, i32
  }
}

</mosaic_0001>

<sc_bundles>
// kernel: sparse-core-data-format-call.1.cloned.1.call-start
scs
called_computation.1_lowered:
.L_overlay_start_0:
0x0: {  	s2 =	sld [smem:$0x3FD9]  }
0x1: {  	s3 =	sld [smem:$0x3FFE];
	_ =	sdelay $0x1  }
0x2: {  	s1 =	srdreg.scid  }
0x3: {  	s0 =	sand.u32 $0x1, s1  }
0x4: {  	s19 =	sshll.u32 s0, $0xA;
	s2 =	sadd.s32 s3, s2  }
0x5: {  	s2 =	sadd.s32 s2, s19  }
0x6: {  	[smem:$0x3FC7] =	sst s2  }
0x7: {  	_ = 	snop  }
0x8: {  	s2 =	sld [smem:$0x3FC9]  }
0x9: {  	s20 =	sld [smem:$0x3FD0];
	(tm) =	ssettm $0x1  }
0xa: {  	s4 =	sld [smem:$0x3FFB];
	_ =	sdelay $0x3  }
0xb: {  	_ =	strace s4  }
0xc: {  	s4 =	sld [smem:$0x3FFC];
	_ =	sdelay $0x3  }
0xd: {  	_ =	strace s4  }
0xe: {  	s4 =	sld [smem:$0x3FFD];
	_ =	sdelay $0x3  }
0xf: {  	_ =	strace s4  }
0x10: {  	_ =	strace $0x8FFFFFFF  }
0x11: {  	s21 =	sld [smem:$0x3FDB];
	_ =	sdelay $0x1  }
0x12: {  	s5 =	simm.s32 $_scs_section_size  }
0x13: {  	s6 =	simm.s32 $_size__tile_overlayer_lowered;
	s7 =	simm.s32 $_tile_overlayer_lowered  }
0x14: {  	s24 =	simm.s32 $0x1BFF;
	s23 =	sshll.u32 s7, $0x1;
	s4 =	sadd.s32 s5, s21  }
0x15: {  	s8 =	simm.s32 $0x0;
	s22 =	sshll.u32 s6, $0x1;
	s6 =	sadd.s32 s23, s4  }
0x16: {  	[timem:s8], [sflag:s24] =	dma.local [hbm:s6], s22  }
0x17: {  	_ =	swait.ge [sflag:s24], s22  }
0x18: {  	s5 =	ssub.s32 $0x0, s22;
	[sflag:s24] =	ssyncset.done $0x0  }
0x19: {  	[sflag:s24] =	ssyncadd.s32 s5;
	_ =	sdelay $0x1  }
0x1a: {  	s25 =	simm.s32 $0x1B8B  }
0x1b: {  	_ =	swait.ge [sflag:s25], $0x1  }
0x1c: {  	[sflag:s25] =	ssyncset.done $0x0  }
0x1d: {  	s26 =	simm.s32 $0x1B8E;
	[sflag:s25] =	ssyncadd.s32 $0xFFFFFFFF  }
0x1e: {  	s27 =	simm.s32 $execute0_lowered;
	[smem:$0x3FD2] =	sst s26  }
0x1f: {  	s5 =	sshll.u32 s27, $0x1;
	_ =	strace $0x80000046;
	[dreg:$0x1] =	wrdreg $0xFFFFFFFF  }
0x20: {  	s28 =	simm.s32 $_size_execute0_lowered;
	s4 =	sadd.s32 s4, s5;
	[dreg:$0x0] =	wrdreg $0x0  }
0x21: {  	s5 =	sshll.u32 s28, $0x1;
	[dreg:$0x2] =	wrdreg s4  }
0x22: {  	[dreg:$0x3] =	wrdreg s5  }
0x23: {  	[dreg:$0x4] =	wrdreg $0xC0  }
0x24: {  	_ =	task [dreg:s8], $0x5FFFF  }
0x25: {  	[dreg:$0x1] =	wrdreg $0xFFFFFFFF  }
0x26: {  	[dreg:$0x0] =	wrdreg $0x60  }
0x27: {  	[dreg:$0x2] =	wrdreg s2  }
0x28: {  	[dreg:$0x3] =	wrdreg s20  }
0x29: {  	[dreg:$0x4] =	wrdreg $0x9  }
0x2a: {  	_ =	task.clear_ibuf [dreg:s8], $0x5FFFF;
	_ =	strace $0x90000046  }
0x2b: {  	s29 =	simm.s32 $0x9;
	_ =	strace $0x80000048  }
0x2c: {  	_ =	swait.ge [sflag:s29], $0x1  }
0x2d: {  	[sflag:s29] =	ssyncadd.s32 $0xFFFFFFFF  }
0x2e: {  	_ =	strace $0x90000048  }
0x2f: {  	_ =	sfence  }
0x30: {  	s30 =	sld [smem:$0x0];
	_ =	sdelay $0x2  }
0x31: {  	s31 =	sshll.u32 s1, $0xD;
	s1 =	sshrl.u32 s1, $0x2  }
0x32: {  	s3 =	sand.u32 $0x4000, s31;
	s1 =	sadd.s32 s1, s30  }
0x33: {  	s0 =	sor.u32 s3, s0;
	s1 =	sshll.u32 s1, $0x11  }
0x34: {  	s0 =	sor.u32 s1, s0  }
0x35: {  	s0 =	sadd.s32 $0x8F2B, s0  }
0x36: {  	[sflag:s0] =	ssyncadd.remote.s32 $0x1  }
0x37: {  	_ =	sfence.sel $0xFFFF  }
0x38: {  	[dreg:$0x0] =	wrdreg $0xFFFFFFFF;
	(pc) =	sbr.abs _section_cstart, $3  }
0x39: {  	[dreg:$0x1] =	wrdreg $0xFFFFFFFF  }
0x3a: {  	_ =	task.clear_ibuf [dreg:s8], $0x2FFFF;
	_ =	strace $0x9FFFFFFF  }
0x3b: {  	(tm) =	ssettm $0x7FFFFFFF  }
tec
execute0_lowered:
.L_overlay_start_1:
0x0: {  	(tag) =	ssettag $0x1  }
0x1: {  	s0 =	srdreg.scid;
	s2 =	rddreg [dreg:$0x0]  }
0x2: {  	s4 =	rddreg [dreg:$0x1];
	s1 =	sshll.u32 s0, $0x4  }
0x3: {  	s7 =	simm.s32 $0x1;
	s0 =	stileid.u32;
	s1 =	sand.u32 $0x10, s1  }
0x4: {  	s8 =	simm.s32 $0x2;
	s14 =	simm.s32 $0x0;
	s1 =	sor.u32 s0, s1  }
0x5: {  	s9 =	simm.s32 $0x0;
	s15 =	simm.s32 $0x0;
	s3 =	sshll.u32 s1, $0x3  }
0x6: {  	s16 =	simm.s32 $0x0;
	s10 =	simm.s32 $0x0;
	s6 =	ssub.s32 $0x400, s3  }
0x7: {  	s11 =	simm.s32 $0x0;
	s13 =	simm.s32 $0x0;
	s5 =	sand.u32 $0xF8, s6  }
.Ltmp0:
0x8: {  	s22 =	simm.s32 $0x0;
	p0 =	sne.s32 s5, $0x0;
	(pc) =	sbr.rel .LBB1_1-.Ltmp0, $4  }
0x9: {  	s1 =	rddreg [dreg:$0x2];
	s6 =	sshrl.u32 s6, $0x8;
	s7 =	simm.s32 @!p0 $0x0  }
0xa: {  	_ =	strace $0x80000047;
	s5 =	simm.s32 $0x1;
	s6 =	sadd.s32 s7, s6  }
0xb: {  	s12 =	smov.u32 s3;
	[sflag:s5] =	ssyncpa.u1 $0x0;
	s6 =	sshll.u32 s6, $0x2  }
0xc: {  	[sflag:s8] =	ssyncpa.u1 $0x0;
	s8 =	simm.s32 $0x100000;
	s7 =	sor.u32 $0x1, s6  }
.LBB1_7:
0xd: {  	s17 =	sadd.s32 $0x100, s10  }
0xe: {  	s14 =	sadd.s32 $0x8, s11;
	s18 =	smov.u32 s11;
	p1 =	sgt.s32 s17, $0x3FF  }
0xf: {  	s18 =	smov.u32 @p1 s14  }
0x10: {  	s20 =	smov.u32 s12;
	s14 =	sadd.s32 $0x100, s12;
	p2 =	sgt.s32 s18, $0x7  }
0x11: {  	s20 =	smov.u32 @p2 s14  }
0x12: {  	s17 =	simm.s32 @p1 $0x0;
	p1 =	sgt.s32 s20, $0x3FF  }
0x13: {  	p0 =	slt.u32 s13, $0x2;
	s20 =	smov.u32 @p1 s3;
	p1 =	sne.s32 s13, s7  }
.Ltmp1:
0x14: {  	s19 =	simm.s32 @!p0 $0x2;
	(pc) =	sbr.rel @!p1 .LBB1_8-.Ltmp1, $4  }
0x15: {  	s15 =	smov.u32 s11;
	s16 =	smov.u32 s12;
	_ =	swait.ge @!p0 [sflag:s19], $0x4000  }
0x16: {  	s9 =	sadd.s32 $0x4000, s9;
	[sflag:s19] =	ssyncset.done @!p0 $0x0;
	s18 =	simm.s32 @p2 $0x0  }
0x17: {  	s14 =	smov.u32 s10;
	[sflag:s19] =	ssyncadd.s32 @!p0 $0xFFFFC000;
	s10 =	smov.u32 s17  }
0x18: {  	s11 =	smov.u32 s18;
	s13 =	sadd.s32 $0x1, s13;
	s12 =	smov.u32 s20  }
.LBB1_1:
0x19: {  	p0 =	sge.u32 s13, s6  }
0x1a: {  	s31 =	sadd.s32 $0xFFFFFFFF, s13;
	s17 =	sxor.u32 @!p0 $0xFFFFFFFF, s13;
	s18 =	sshll.u32 @!p0 s11, $0x7  }
0x1b: {  	s19 =	sand.u32 @!p0 $0x78, s10;
	s20 =	sshll.u32 @!p0 s12, $0xA;
	s18 =	sand.u32 @!p0 $0x380, s18  }
0x1c: {  	s20 =	sadd.s32 @!p0 s2, s20;
	s18 =	sor.u32 @!p0 s19, s18;
	s19 =	sand.u32 @!p0 $0x380, s10  }
0x1d: {  	s17 =	sshll.u32 @!p0 s17, $0xE;
	s19 =	sadd.s32 @!p0 s19, s20;
	s20 =	sand.u32 @!p0 $0x7, s10  }
0x1e: {  	s17 =	sand.u32 @!p0 $0x4000, s17;
	s18 =	sshrl.u32 @!p0 s18, $0x3;
	s20 =	sshll.u32 @!p0 s20, $0x12  }
0x1f: {  	s18 =	sadd.s32 @!p0 s18, s19;
	s19 =	sor.u32 @!p0 $0x800, s20;
	s20 =	simm.s32 @!p0 $0x2000  }
0x20: {  	[tilespmem:s17], [sflag:$0x1] =	stream.strided.gather @!p0 [hbm4b:s18+s19], $0x4000, s20, s19, $0x38;
	[tilespmem:$0x10000] =	vst v63  }
0x21: {  	p0 =	sge.u32 s31, s6  }
.Ltmp2:
0x22: {  	_ = 	snop;
	(pc) =	sbr.rel @p0 .LBB1_7-.Ltmp2, $1  }
0x23: {  	_ =	sdelay $0x3  }
0x24: {  	s17 =	sshll.u32 s9, $0x2;
	_ =	swait.ge [sflag:s5], $0x4000;
	s31 =	sshll.u32 s13, $0xE  }
0x25: {  	p0 =	por $0x0, $0x0;
	s23 =	simm.s32 $0x0;
	s24 =	simm.s32 $0x0  }
0x26: {  	s17 =	sand.u32 $0x10000, s17;
	[sflag:s5] =	ssyncset.done $0x0;
	s20 =	sand.u32 $0x4000, s31  }
0x27: {  	s21 =	sshrl.u32 s17, $0x2;
	[sflag:s5] =	ssyncadd.s32 $0xFFFFC000;
	s17 =	sor.u32 $0x8000, s20  }
0x28: {  	s18 =	sor.u32 $0x40, s21;
	s19 =	sor.u32 $0x8410, s21;
	s21 =	sadd.s32 $0x8400, s21  }
.LBB1_3:
0x29: {  	v1 =	vld [tilespmem:s18+$0xFFFFFFD0]  }
0x2a: {  	v2 =	vld [tilespmem:s18+$0x430]  }
0x2b: {  	s25 =	sshll.u32 s24, $0xB;
	v4 =	vld [tilespmem:s18+$0xFFFFFFE0]  }
0x2c: {  	v7 =	vld [tilespmem:s18+$0xFFFFFFF0];
	v0 =	vmov s25  }
0x2d: {  	v8 =	vld [tilespmem:s18+$0x0]  }
0x2e: {  	s31 =	sand.u32 $0x300, s22;
	v9 =	vld [tilespmem:s18+$0x10]  }
0x2f: {  	s26 =	sand.u32 $0x80, s22;
	v10 =	vld [tilespmem:s18+$0x20];
	s25 =	sadd.s32 s31, s20  }
0x30: {  	v11 =	vld [tilespmem:s18+$0x30];
	s25 =	sadd.s32 s26, s25;
	s26 =	simm.s32 $0x1;
	[tilespmem:s19+$0x60] =	vst v2  }
0x31: {  	s31 =	sshll.u32 s23, $0x2;
	s26 =	simm.s32 @!p0 $0x0;
	[tilespmem:s19+$0xFFFFFC00] =	vst v1;
	v3 =	vld.idx.msk [tilespmem:v0+s25+$0x400 ss:$0x1], $0xffff  }
0x32: {  	v6 =	vld [tilespmem:s18+$0x3D0];
	s26 =	sshll.u32 s26, $0x9;
	[tilespmem:s19+$0xFFFFFC10] =	vst v4;
	s25 =	sand.u32 $0xFFFFFC00, s31  }
0x33: {  	v5 =	vld [tilespmem:s18+$0x3E0];
	[tilespmem:s19+$0xFFFFFC20] =	vst v7;
	s25 =	sor.u32 s26, s25  }
0x34: {  	[tilespmem:s19+$0xFFFFFC30] =	vst v8;
	v4 =	vld [tilespmem:s18+$0x400];
	s25 =	sshrl.u32 s25, $0x2  }
0x35: {  	[tilespmem:s19+$0xFFFFFC40] =	vst v9;
	v1 =	vld [tilespmem:s18+$0x410];
	s25 =	sadd.s32 s25, s21  }
0x36: {  	[tilespmem:s25+$0x0] =	vst v3;
	v3 =	vld [tilespmem:s18+$0x3F0]  }
0x37: {  	s29 =	simm.s32 $0x80;
	s28 =	simm.s32 $0x100;
	[tilespmem:s19+$0xFFFFFC50] =	vst v10;
	v2 =	vld [tilespmem:s18+$0x420]  }
0x38: {  	s27 =	smov.u32 s19;
	s30 =	sand.u32 $0x300, s29;
	v7 =	vld [tilespmem:s18+$0xFFFFFFC0];
	[tilespmem:s19+$0xFFFFFC60] =	vst v11;
	s26 =	sadd.s32 $0x80, s18  }
.LBB1_4:
0x39: {  	p1 =	sne.s32 s28, $0x380;
	v8 =	vld [tilespmem:s26+$0xFFFFFFD0];
	s29 =	sand.u32 $0x80, s29;
	s30 =	sadd.s32 s30, s20;
	[tilespmem:s27+$0x0] =	vst v6  }
0x3a: {  	s30 =	sadd.s32 s29, s30;
	v6 =	vld [tilespmem:s26+$0x430];
	[tilespmem:s27+$0x10] =	vst v5;
	s29 =	smov.u32 s28  }
0x3b: {  	v5 =	vld.idx.msk [tilespmem:v0+s30+$0x400 ss:$0x1], $0xffff;
	[tilespmem:s27+$0x20] =	vst v3  }
0x3c: {  	v3 =	vld [tilespmem:s26+$0xFFFFFFE0];
	[tilespmem:s27+$0x30] =	vst v4  }
0x3d: {  	v4 =	vld [tilespmem:s26+$0xFFFFFFF0];
	[tilespmem:s27+$0xFFFFFBF0] =	vst v7  }
0x3e: {  	v7 =	vld [tilespmem:s26+$0x0];
	[tilespmem:s27+$0x40] =	vst v1  }
0x3f: {  	v1 =	vld [tilespmem:s26+$0x10];
	[tilespmem:s27+$0x50] =	vst v2;
	s27 =	sadd.s32 $0x800, s27  }
0x40: {  	s25 =	sadd.s32 $0x800, s25;
	v2 =	vld [tilespmem:s26+$0x20];
	[tilespmem:s27+$0x60] =	vst v6  }
0x41: {  	v9 =	vld [tilespmem:s26+$0x30];
	[tilespmem:s25+$0x0] =	vst v5  }
0x42: {  	[tilespmem:s27+$0xFFFFFC00] =	vst v8;
	v6 =	vld [tilespmem:s26+$0x3D0]  }
0x43: {  	[tilespmem:s27+$0xFFFFFC10] =	vst v3;
	v5 =	vld [tilespmem:s26+$0x3E0]  }
.Ltmp3:
0x44: {  	[tilespmem:s27+$0xFFFFFC20] =	vst v4;
	v3 =	vld [tilespmem:s26+$0x3F0];
	(pc) =	sbr.rel @p1 .LBB1_4-.Ltmp3, $4  }
0x45: {  	[tilespmem:s27+$0xFFFFFC30] =	vst v7;
	v4 =	vld [tilespmem:s26+$0x400]  }
0x46: {  	[tilespmem:s27+$0xFFFFFC40] =	vst v1;
	v1 =	vld [tilespmem:s26+$0x410]  }
0x47: {  	[tilespmem:s27+$0xFFFFFC50] =	vst v2;
	v2 =	vld [tilespmem:s26+$0x420]  }
0x48: {  	s28 =	sadd.s32 $0x80, s28;
	s30 =	sand.u32 $0x300, s29;
	v7 =	vld [tilespmem:s26+$0xFFFFFFC0];
	[tilespmem:s27+$0xFFFFFC60] =	vst v9;
	s26 =	sadd.s32 $0x80, s26  }
0x49: {  	[tilespmem:s27+$0x0] =	vst v6  }
0x4a: {  	[tilespmem:s27+$0x10] =	vst v5  }
0x4b: {  	v49 =	vld [tilespmem:s26+$0x430];
	[tilespmem:s27+$0x20] =	vst v3  }
0x4c: {  	v50 =	vld [tilespmem:s26+$0xFFFFFFD0];
	[tilespmem:s27+$0x30] =	vst v4  }
0x4d: {  	v51 =	vld [tilespmem:s26+$0xFFFFFFE0];
	[tilespmem:s27+$0x40] =	vst v1  }
0x4e: {  	v52 =	vld [tilespmem:s26+$0xFFFFFFF0];
	[tilespmem:s27+$0x50] =	vst v2  }
0x4f: {  	s31 =	sadd.s32 $0x800, s27;
	v53 =	vld [tilespmem:s26+$0x0];
	[tilespmem:s27+$0xFFFFFBF0] =	vst v7  }
0x50: {  	v54 =	vld [tilespmem:s26+$0x10];
	[tilespmem:s31+$0x60] =	vst v49  }
0x51: {  	v55 =	vld [tilespmem:s26+$0x20];
	[tilespmem:s31+$0xFFFFFC00] =	vst v50  }
0x52: {  	v56 =	vld [tilespmem:s26+$0x30];
	[tilespmem:s31+$0xFFFFFC10] =	vst v51  }
0x53: {  	v57 =	vld [tilespmem:s26+$0x3D0];
	[tilespmem:s31+$0xFFFFFC20] =	vst v52  }
0x54: {  	v58 =	vld [tilespmem:s26+$0x3E0];
	[tilespmem:s31+$0xFFFFFC30] =	vst v53  }
0x55: {  	v59 =	vld [tilespmem:s26+$0x3F0];
	[tilespmem:s31+$0xFFFFFC40] =	vst v54  }
0x56: {  	v60 =	vld [tilespmem:s26+$0x400];
	[tilespmem:s31+$0xFFFFFC50] =	vst v55  }
0x57: {  	v61 =	vld [tilespmem:s26+$0xFFFFFFC0];
	[tilespmem:s31+$0xFFFFFC60] =	vst v56  }
0x58: {  	s28 =	sand.u32 $0x80, s29;
	s30 =	sadd.s32 s30, s20;
	v62 =	vld [tilespmem:s26+$0x410];
	[tilespmem:s31+$0x0] =	vst v57  }
0x59: {  	v63 =	vld [tilespmem:s26+$0x420];
	s24 =	sadd.s32 $0x1, s24;
	s28 =	sadd.s32 s28, s30;
	[tilespmem:s31+$0x10] =	vst v58  }
0x5a: {  	p1 =	sne.s32 s24, $0x8;
	v0 =	vld.idx.msk [tilespmem:v0+s28+$0x400 ss:$0x1], $0xffff;
	[tilespmem:s31+$0x20] =	vst v59  }
.Ltmp4:
0x5b: {  	[tilespmem:s31+$0x30] =	vst v60;
	(pc) =	sbr.rel @p1 .LBB1_3-.Ltmp4, $4  }
0x5c: {  	[tilespmem:s31+$0xFFFFFBF0] =	vst v61  }
0x5d: {  	[tilespmem:s31+$0x40] =	vst v62  }
0x5e: {  	s25 =	sadd.s32 $0x800, s25;
	s18 =	sadd.s32 $0x800, s18;
	[tilespmem:s31+$0x50] =	vst v63  }
0x5f: {  	s23 =	sadd.s32 $0x80, s23;
	p0 =	por !p0, !p0;
	s19 =	sadd.s32 $0x80, s19;
	[tilespmem:s25+$0x0] =	vst v0  }
0x60: {  	s16 =	sshll.u32 s16, $0x7;
	s18 =	sand.u32 $0x78, s14  }
0x61: {  	s15 =	sshll.u32 s15, $0x11;
	s31 =	sand.u32 $0x7, s14;
	s19 =	sand.u32 $0x380, s16  }
.Ltmp5:
0x62: {  	s16 =	sand.u32 $0x1FC00, s16;
	s18 =	sor.u32 s19, s18;
	(pc) =	sbr.rel .LBB1_7-.Ltmp5, $4  }
0x63: {  	s15 =	sadd.s32 s4, s15;
	s16 =	sadd.s32 s14, s16;
	s18 =	sshrl.u32 s18, $0x3  }
0x64: {  	s14 =	sshll.u32 s31, $0x12;
	s16 =	sand.u32 $0x1FF80, s16;
	s15 =	sadd.s32 s18, s15  }
0x65: {  	s14 =	sor.u32 $0x800, s14;
	s15 =	sadd.s32 s16, s15  }
0x66: {  	[hbm4b:s15+s14] =	stream.strided.scatter [tilespmem:s17], [sflag:$0x2], $0x4000, s8, s14, $0x38;
	[tilespmem:$0x10000] =	vst v63  }
.LBB1_8:
0x67: {  	_ =	sfence.sel $0x180000  }
0x68: {  	s2 =	simm.s32 $0x1;
	[bflag:$0x0] =	sbarrier.arrive $0xFFFF  }
0x69: {  	s31 =	simm.s32 $0x2;
	[sflag:s2] =	ssyncpa.u1 $0x1  }
0x6a: {  	[sflag:s31] =	ssyncpa.u1 $0x1  }
0x6b: {  	p0 =	sne.s32 s0, $0x0;
	_ =	strace $0x90000047  }
0x6c: {  	s0 =	sadd.s32 @!p0 $0x100000, s1;
	[bflag:$0x2] =	sbarrier.arrive $0xFFFF  }
0x6d: {  	[sflag:s0] =	ssyncadd.tile.s32 @!p0 $0x1;
	_ =	shalt  }
.Lfunc_end1:
_tile_overlayer_lowered:
.L_overlay_start_2:
0x6e: {  	(tag) =	ssettag $0x2  }
0x6f: {  	s0 =	rddreg [dreg:$0x0];
	s2 =	stileid.u32  }
0x70: {  	s1 =	rddreg [dreg:$0x1];
	p0 =	sne.s32 s2, $0x0  }
0x71: {  	s3 =	rddreg [dreg:$0x2];
	[bflag:$0x3] =	sbarrier.arrive $0xFFFF;
	s2 =	simm.s32 @!p0 $0x1C01  }
0x72: {  	[timem:s3], [sflag:s2] =	dma.local @!p0 [hbm:s0], s1  }
0x73: {  	s0 =	simm.s32 @!p0 $0x1  }
0x74: {  	_ =	swait.ge @!p0 [sflag:s0], s1  }
0x75: {  	s1 =	ssub.s32 @!p0 $0x0, s1;
	[sflag:s0] =	ssyncset.done @!p0 $0x0  }
0x76: {  	[sflag:s0] =	ssyncadd.s32 @!p0 s1  }
0x77: {  	[bflag:$0x3] =	sbarrier.arrive $0xFFFF  }
0x78: {  	_ =	shalt  }

// kernel: sparse-core-data-format-call.cloned.1.call-start
scs
called_computation_lowered:
.L_overlay_start_0:
0x0: {  	s2 =	sld [smem:$0x3FD9]  }
0x1: {  	s3 =	sld [smem:$0x3FFE];
	_ =	sdelay $0x1  }
0x2: {  	s1 =	srdreg.scid  }
0x3: {  	s0 =	sand.u32 $0x1, s1  }
0x4: {  	s18 =	sshll.u32 s0, $0xA;
	s2 =	sadd.s32 s3, s2  }
0x5: {  	s2 =	sadd.s32 s2, s18  }
0x6: {  	[smem:$0x3FC7] =	sst s2  }
0x7: {  	_ = 	snop  }
0x8: {  	s2 =	sld [smem:$0x3FD0];
	(tm) =	ssettm $0x1  }
0x9: {  	s19 =	sld [smem:$0x3FFB];
	_ =	sdelay $0x3  }
0xa: {  	_ =	strace s19  }
0xb: {  	s3 =	sld [smem:$0x3FFC];
	_ =	sdelay $0x3  }
0xc: {  	_ =	strace s3  }
0xd: {  	s3 =	sld [smem:$0x3FFD];
	_ =	sdelay $0x3  }
0xe: {  	_ =	strace s3  }
0xf: {  	_ =	strace $0x8FFFFFFF  }
0x10: {  	s20 =	sld [smem:$0x3FDB];
	_ =	sdelay $0x1  }
0x11: {  	s4 =	simm.s32 $_scs_section_size  }
0x12: {  	s5 =	simm.s32 $_size__tile_overlayer_lowered;
	s6 =	simm.s32 $_tile_overlayer_lowered  }
0x13: {  	s23 =	simm.s32 $0x1BFF;
	s22 =	sshll.u32 s6, $0x1;
	s3 =	sadd.s32 s4, s20  }
0x14: {  	s7 =	simm.s32 $0x0;
	s21 =	sshll.u32 s5, $0x1;
	s5 =	sadd.s32 s22, s3  }
0x15: {  	[timem:s7], [sflag:s23] =	dma.local [hbm:s5], s21  }
0x16: {  	_ =	swait.ge [sflag:s23], s21  }
0x17: {  	s4 =	ssub.s32 $0x0, s21;
	[sflag:s23] =	ssyncset.done $0x0  }
0x18: {  	[sflag:s23] =	ssyncadd.s32 s4;
	_ =	sdelay $0x1  }
0x19: {  	s24 =	simm.s32 $0x1B8B  }
0x1a: {  	_ =	swait.ge [sflag:s24], $0x1  }
0x1b: {  	[sflag:s24] =	ssyncset.done $0x0  }
0x1c: {  	s26 =	simm.s32 $0x1B8E;
	s25 =	sld [smem:$0x3FFE];
	[sflag:s24] =	ssyncadd.s32 $0xFFFFFFFF  }
0x1d: {  	s27 =	simm.s32 $execute0_lowered;
	[smem:$0x3FD2] =	sst s26  }
0x1e: {  	s5 =	sshll.u32 s27, $0x1;
	_ =	strace $0x80000049;
	[dreg:$0x1] =	wrdreg $0xFFFFFFFF  }
0x1f: {  	s28 =	simm.s32 $_size_execute0_lowered;
	s3 =	sadd.s32 s3, s5;
	[dreg:$0x0] =	wrdreg $0x0  }
0x20: {  	s5 =	sshll.u32 s28, $0x1;
	[dreg:$0x2] =	wrdreg s3  }
0x21: {  	[dreg:$0x3] =	wrdreg s5  }
0x22: {  	[dreg:$0x4] =	wrdreg $0xC0  }
0x23: {  	_ =	task [dreg:s7], $0x5FFFF  }
0x24: {  	[dreg:$0x1] =	wrdreg $0xFFFFFFFF  }
0x25: {  	[dreg:$0x0] =	wrdreg $0x60  }
0x26: {  	[dreg:$0x2] =	wrdreg s25  }
0x27: {  	[dreg:$0x3] =	wrdreg s2  }
0x28: {  	[dreg:$0x4] =	wrdreg $0x9  }
0x29: {  	_ =	task.clear_ibuf [dreg:s7], $0x5FFFF;
	_ =	strace $0x90000049  }
0x2a: {  	s29 =	simm.s32 $0x9;
	_ =	strace $0x8000004B  }
0x2b: {  	_ =	swait.ge [sflag:s29], $0x1  }
0x2c: {  	[sflag:s29] =	ssyncadd.s32 $0xFFFFFFFF  }
0x2d: {  	_ =	strace $0x9000004B  }
0x2e: {  	_ =	sfence  }
0x2f: {  	s30 =	sld [smem:$0x0];
	_ =	sdelay $0x2  }
0x30: {  	s31 =	sshll.u32 s1, $0xD;
	s1 =	sshrl.u32 s1, $0x2  }
0x31: {  	s3 =	sand.u32 $0x4000, s31;
	s1 =	sadd.s32 s1, s30  }
0x32: {  	s0 =	sor.u32 s3, s0;
	s1 =	sshll.u32 s1, $0x11  }
0x33: {  	s0 =	sor.u32 s1, s0  }
0x34: {  	s0 =	sadd.s32 $0x8F2B, s0  }
0x35: {  	[sflag:s0] =	ssyncadd.remote.s32 $0x1  }
0x36: {  	_ =	sfence.sel $0xFFFF  }
0x37: {  	[dreg:$0x0] =	wrdreg $0xFFFFFFFF;
	(pc) =	sbr.abs _section_cstart, $3  }
0x38: {  	[dreg:$0x1] =	wrdreg $0xFFFFFFFF  }
0x39: {  	_ =	task.clear_ibuf [dreg:s7], $0x2FFFF;
	_ =	strace $0x9FFFFFFF  }
0x3a: {  	(tm) =	ssettm $0x7FFFFFFF  }
0x3b: {  	_ =	shalt  }
tec
execute0_lowered:
.L_overlay_start_1:
0x0: {  	(tag) =	ssettag $0x1  }
0x1: {  	s0 =	stileid.u32;
	s4 =	rddreg [dreg:$0x0]  }
0x2: {  	s1 =	srdreg.scid;
	s3 =	rddreg [dreg:$0x1];
	s7 =	simm.s32 $0x1  }
0x3: {  	s31 =	simm.s32 $0x2;
	s2 =	sshll.u32 s0, $0x4;
	s1 =	sshll.u32 s1, $0x8  }
0x4: {  	s15 =	simm.s32 $0x0;
	s9 =	simm.s32 $0x2000;
	s1 =	sor.u32 s2, s1  }
0x5: {  	s10 =	simm.s32 $0x0;
	s16 =	simm.s32 $0x0;
	s2 =	sand.u32 $0x180, s1  }
0x6: {  	s17 =	simm.s32 $0x0;
	s11 =	simm.s32 $0x0;
	s5 =	ssub.s32 $0x400, s2  }
0x7: {  	s14 =	simm.s32 $0x0;
	s4 =	sadd.s32 $0xA00, s4;
	s6 =	sand.u32 $0x180, s5  }
.Ltmp0:
0x8: {  	s1 =	rddreg [dreg:$0x2];
	p0 =	sne.s32 s6, $0x0;
	(pc) =	sbr.rel .LBB1_1-.Ltmp0, $4  }
0x9: {  	_ =	strace $0x8000004A;
	s8 =	sshrl.u32 s5, $0x9;
	s7 =	simm.s32 @!p0 $0x0  }
0xa: {  	s12 =	smov.u32 s2;
	s6 =	simm.s32 $0x1;
	s7 =	sadd.s32 s7, s8  }
0xb: {  	s5 =	sand.u32 $0x7, s0;
	[sflag:s6] =	ssyncpa.u1 $0x0;
	s7 =	sshll.u32 s7, $0x3  }
0xc: {  	s13 =	smov.u32 s5;
	[sflag:s31] =	ssyncpa.u1 $0x0;
	s8 =	sor.u32 $0x1, s7  }
.LBB1_4:
0xd: {  	_ =	sdelay $0x3  }
0xe: {  	[tilespmem:v0+s20+$0xFFFFFFA0 ss:$0x1] =	vst.idx.msk $0xffff, v6  }
0xf: {  	v56 =	vld.idx.msk [tilespmem:v1+s19+$0x30 ss:$0x1], $0xffff;
	[tilespmem:v0+s20+$0xFFFFFFB0 ss:$0x1] =	vst.idx.msk $0xffff, v4  }
0x10: {  	v57 =	vld.idx.msk [tilespmem:v1+s19+$0xFFFFFFC0 ss:$0x1], $0xffff;
	[tilespmem:v0+s20+$0xFFFFFFC0 ss:$0x1] =	vst.idx.msk $0xffff, v2  }
0x11: {  	v58 =	vld.idx.msk [tilespmem:v1+s19+$0xFFFFFFD0 ss:$0x1], $0xffff;
	[tilespmem:v0+s20+$0xFFFFFFD0 ss:$0x1] =	vst.idx.msk $0xffff, v3  }
0x12: {  	v59 =	vld.idx.msk [tilespmem:v1+s19+$0xFFFFFFE0 ss:$0x1], $0xffff;
	[tilespmem:v0+s20+$0xFFFFFFE0 ss:$0x1] =	vst.idx.msk $0xffff, v5  }
0x13: {  	v60 =	vld.idx.msk [tilespmem:v1+s19+$0xFFFFFFF0 ss:$0x1], $0xffff;
	[tilespmem:v0+s20+$0xFFFFFFF0 ss:$0x1] =	vst.idx.msk $0xffff, v7  }
0x14: {  	v61 =	vld.idx.msk [tilespmem:v1+s19+$0x0 ss:$0x1], $0xffff;
	[tilespmem:v0+s19+$0x0 ss:$0x1] =	vst.idx.msk $0xffff, v56  }
0x15: {  	v62 =	vld.idx.msk [tilespmem:v1+s19+$0x10 ss:$0x1], $0xffff;
	[tilespmem:v0+s19+$0xFFFFFF90 ss:$0x1] =	vst.idx.msk $0xffff, v57  }
0x16: {  	v63 =	vld.idx.msk [tilespmem:v1+s19+$0x20 ss:$0x1], $0xffff;
	[tilespmem:v0+s19+$0xFFFFFFA0 ss:$0x1] =	vst.idx.msk $0xffff, v58  }
0x17: {  	s17 =	sshll.u32 s17, $0x7;
	s29 =	sand.u32 $0x78, s15;
	[tilespmem:v0+s19+$0xFFFFFFB0 ss:$0x1] =	vst.idx.msk $0xffff, v59  }
0x18: {  	s16 =	sshll.u32 s16, $0xA;
	s30 =	sand.u32 $0x380, s15;
	s17 =	sand.u32 $0x380, s17;
	[tilespmem:v0+s19+$0xFFFFFFC0 ss:$0x1] =	vst.idx.msk $0xffff, v60  }
0x19: {  	s31 =	sand.u32 $0x7, s15;
	s16 =	sadd.s32 s3, s16;
	s17 =	sor.u32 s17, s29;
	[tilespmem:v0+s19+$0xFFFFFFD0 ss:$0x1] =	vst.idx.msk $0xffff, v61  }
0x1a: {  	s15 =	sshll.u32 s31, $0x12;
	s16 =	sadd.s32 s30, s16;
	s17 =	sshrl.u32 s17, $0x3;
	[tilespmem:v0+s19+$0xFFFFFFE0 ss:$0x1] =	vst.idx.msk $0xffff, v62  }
0x1b: {  	s15 =	sor.u32 $0x80, s15;
	s16 =	sadd.s32 s17, s16;
	[tilespmem:v0+s19+$0xFFFFFFF0 ss:$0x1] =	vst.idx.msk $0xffff, v63  }
0x1c: {  	[hbm4b:s16+s15] =	stream.strided.scatter [tilespmem:s18], [sflag:$0x2], $0x4000, s9, s15, $0x38;
	[tilespmem:$0x10000] =	vst v63  }
.LBB1_5:
0x1d: {  	s18 =	sadd.s32 $0x80, s11  }
0x1e: {  	s15 =	sadd.s32 $0x200, s12;
	s19 =	smov.u32 s12;
	p1 =	sgt.s32 s18, $0x3FF  }
0x1f: {  	s19 =	smov.u32 @p1 s15  }
0x20: {  	s21 =	smov.u32 s13;
	s15 =	sadd.s32 $0x8, s13;
	p2 =	sgt.s32 s19, $0x3FF  }
0x21: {  	s21 =	smov.u32 @p2 s15  }
0x22: {  	s18 =	simm.s32 @p1 $0x0;
	p1 =	sgt.s32 s21, $0x7  }
0x23: {  	p0 =	slt.u32 s14, $0x2;
	s21 =	smov.u32 @p1 s5;
	p1 =	sne.s32 s14, s8  }
.Ltmp1:
0x24: {  	s20 =	simm.s32 @!p0 $0x2;
	(pc) =	sbr.rel @!p1 .LBB1_6-.Ltmp1, $4  }
0x25: {  	s16 =	smov.u32 s12;
	s17 =	smov.u32 s13;
	_ =	swait.ge @!p0 [sflag:s20], $0x4000  }
0x26: {  	s10 =	sadd.s32 $0x4000, s10;
	[sflag:s20] =	ssyncset.done @!p0 $0x0;
	s19 =	smov.u32 @p2 s2  }
0x27: {  	s15 =	smov.u32 s11;
	[sflag:s20] =	ssyncadd.s32 @!p0 $0xFFFFC000;
	s11 =	smov.u32 s18  }
0x28: {  	s12 =	smov.u32 s19;
	s14 =	sadd.s32 $0x1, s14;
	s13 =	smov.u32 s21  }
.LBB1_1:
0x29: {  	p0 =	sge.u32 s14, s7  }
0x2a: {  	s31 =	sadd.s32 $0xFFFFFFFF, s14;
	s18 =	sshll.u32 @!p0 s12, $0x7  }
0x2b: {  	s19 =	sxor.u32 @!p0 $0xFFFFFFFF, s14;
	s20 =	sand.u32 @!p0 $0x78, s11;
	s21 =	sand.u32 @!p0 $0x380, s18  }
0x2c: {  	s19 =	sshll.u32 @!p0 s19, $0xE;
	s20 =	sor.u32 @!p0 s20, s21;
	s21 =	sshll.u32 @!p0 s13, $0x11  }
0x2d: {  	s18 =	sand.u32 @!p0 $0x1FC00, s18;
	s20 =	sshrl.u32 @!p0 s20, $0x3;
	s21 =	sadd.s32 @!p0 s4, s21  }
0x2e: {  	s18 =	sadd.s32 @!p0 s11, s18;
	s20 =	sadd.s32 @!p0 s20, s21;
	s21 =	sand.u32 @!p0 $0x7, s11  }
0x2f: {  	s19 =	sand.u32 @!p0 $0x4000, s19;
	s18 =	sand.u32 @!p0 $0x1FF80, s18;
	s21 =	sshll.u32 @!p0 s21, $0x12  }
0x30: {  	s18 =	sadd.s32 @!p0 s18, s20;
	s20 =	sor.u32 @!p0 $0x400, s21;
	s21 =	simm.s32 @!p0 $0x2000  }
0x31: {  	[tilespmem:s19], [sflag:$0x1] =	stream.strided.gather @!p0 [hbm4b:s18+s20], $0x4000, s21, s20, $0x38;
	[tilespmem:$0x10000] =	vst v63  }
0x32: {  	p0 =	sge.u32 s31, s7  }
.Ltmp2:
0x33: {  	_ = 	snop;
	(pc) =	sbr.rel @p0 .LBB1_5-.Ltmp2, $1  }
0x34: {  	_ =	sdelay $0x3  }
0x35: {  	s18 =	sand.u32 $0x4000, s10  }
0x36: {  	s19 =	sor.u32 $0x40, s18  }
0x37: {  	v1 =	vmov s19;
	_ =	sdelay $0x1  }
0x38: {  	_ =	swait.ge [sflag:s6], $0x4000  }
0x39: {  	[sflag:s6] =	ssyncset.done $0x0  }
0x3a: {  	s20 =	simm.s32 $0x0;
	[sflag:s6] =	ssyncadd.s32 $0xFFFFC000  }
0x3b: {  	s18 =	sor.u32 $0x8070, s18;
	v7 =	vld.idx.msk [tilespmem:v1+s20+$0x30 ss:$0x1], $0xffff  }
0x3c: {  	v0 =	vmov s18;
	v8 =	vld.idx.msk [tilespmem:v1+s20+$0xFFFFFFC0 ss:$0x1], $0xffff  }
0x3d: {  	v6 =	vld.idx.msk [tilespmem:v1+s20+$0xFFFFFFD0 ss:$0x1], $0xffff  }
0x3e: {  	v4 =	vld.idx.msk [tilespmem:v1+s20+$0xFFFFFFE0 ss:$0x1], $0xffff  }
0x3f: {  	v2 =	vld.idx.msk [tilespmem:v1+s20+$0xFFFFFFF0 ss:$0x1], $0xffff  }
0x40: {  	s31 =	sshll.u32 s14, $0xE;
	v3 =	vld.idx.msk [tilespmem:v1+s20+$0x0 ss:$0x1], $0xffff  }
0x41: {  	s18 =	sand.u32 $0x4000, s31;
	v5 =	vld.idx.msk [tilespmem:v1+s20+$0x10 ss:$0x1], $0xffff;
	[tilespmem:v0+s20+$0x0 ss:$0x1] =	vst.idx.msk $0xffff, v7  }
0x42: {  	s21 =	simm.s32 $0x400;
	s19 =	simm.s32 $0x80;
	s18 =	sor.u32 $0x8000, s18;
	[tilespmem:v0+s20+$0xFFFFFF90 ss:$0x1] =	vst.idx.msk $0xffff, v8;
	v7 =	vld.idx.msk [tilespmem:v1+s20+$0x20 ss:$0x1], $0xffff  }
.LBB1_3:
0x43: {  	p0 =	sne.s32 s21, $0xFE00;
	v8 =	vld.idx.msk [tilespmem:v1+s19+$0x30 ss:$0x1], $0xffff;
	[tilespmem:v0+s20+$0xFFFFFFA0 ss:$0x1] =	vst.idx.msk $0xffff, v6  }
0x44: {  	v9 =	vld.idx.msk [tilespmem:v1+s19+$0xFFFFFFC0 ss:$0x1], $0xffff;
	[tilespmem:v0+s20+$0xFFFFFFB0 ss:$0x1] =	vst.idx.msk $0xffff, v4  }
0x45: {  	v6 =	vld.idx.msk [tilespmem:v1+s19+$0xFFFFFFD0 ss:$0x1], $0xffff;
	[tilespmem:v0+s20+$0xFFFFFFC0 ss:$0x1] =	vst.idx.msk $0xffff, v2  }
.Ltmp3:
0x46: {  	v4 =	vld.idx.msk [tilespmem:v1+s19+$0xFFFFFFE0 ss:$0x1], $0xffff;
	[tilespmem:v0+s20+$0xFFFFFFD0 ss:$0x1] =	vst.idx.msk $0xffff, v3;
	(pc) =	sbr.rel @p0 .LBB1_3-.Ltmp3, $4  }
0x47: {  	v2 =	vld.idx.msk [tilespmem:v1+s19+$0xFFFFFFF0 ss:$0x1], $0xffff;
	[tilespmem:v0+s20+$0xFFFFFFE0 ss:$0x1] =	vst.idx.msk $0xffff, v5  }
0x48: {  	v3 =	vld.idx.msk [tilespmem:v1+s19+$0x0 ss:$0x1], $0xffff;
	[tilespmem:v0+s20+$0xFFFFFFF0 ss:$0x1] =	vst.idx.msk $0xffff, v7;
	s20 =	smov.u32 s19  }
0x49: {  	v5 =	vld.idx.msk [tilespmem:v1+s20+$0x10 ss:$0x1], $0xffff;
	[tilespmem:v0+s20+$0x0 ss:$0x1] =	vst.idx.msk $0xffff, v8  }
0x4a: {  	s19 =	sshra.s32 s21, $0x2;
	s21 =	sadd.s32 $0x200, s21;
	[tilespmem:v0+s20+$0xFFFFFF90 ss:$0x1] =	vst.idx.msk $0xffff, v9;
	v7 =	vld.idx.msk [tilespmem:v1+s20+$0x20 ss:$0x1], $0xffff  }
.Ltmp4:
0x4b: {  	_ = 	snop;
	(pc) =	sbr.rel .LBB1_4-.Ltmp4, $1  }
0x4c: {  	_ =	sdelay $0x3  }
.LBB1_6:
0x4d: {  	_ =	sfence.sel $0x180000  }
0x4e: {  	s2 =	simm.s32 $0x1;
	[bflag:$0x0] =	sbarrier.arrive $0xFFFF  }
0x4f: {  	s31 =	simm.s32 $0x2;
	[sflag:s2] =	ssyncpa.u1 $0x1  }
0x50: {  	[sflag:s31] =	ssyncpa.u1 $0x1  }
0x51: {  	p0 =	sne.s32 s0, $0x0;
	_ =	strace $0x9000004A  }
0x52: {  	s0 =	sadd.s32 @!p0 $0x100000, s1;
	[bflag:$0x2] =	sbarrier.arrive $0xFFFF  }
0x53: {  	[sflag:s0] =	ssyncadd.tile.s32 @!p0 $0x1;
	_ =	shalt  }
.Lfunc_end1:
_tile_overlayer_lowered:
.L_overlay_start_2:
0x54: {  	(tag) =	ssettag $0x2  }
0x55: {  	s0 =	rddreg [dreg:$0x0];
	s2 =	stileid.u32  }
0x56: {  	s1 =	rddreg [dreg:$0x1];
	p0 =	sne.s32 s2, $0x0  }
0x57: {  	s3 =	rddreg [dreg:$0x2];
	[bflag:$0x3] =	sbarrier.arrive $0xFFFF;
	s2 =	simm.s32 @!p0 $0x1C01  }
0x58: {  	[timem:s3], [sflag:s2] =	dma.local @!p0 [hbm:s0], s1  }
0x59: {  	s0 =	simm.s32 @!p0 $0x1  }
0x5a: {  	_ =	swait.ge @!p0 [sflag:s0], s1  }
0x5b: {  	s1 =	ssub.s32 @!p0 $0x0, s1;
	[sflag:s0] =	ssyncset.done @!p0 $0x0  }
0x5c: {  	[sflag:s0] =	ssyncadd.s32 @!p0 s1  }
0x5d: {  	[bflag:$0x3] =	sbarrier.arrive $0xFFFF  }
0x5e: {  	_ =	shalt  }

</sc_bundles>
